<compile_context>
chip_gen: v7x
topology: tpu7x:2x2x1
jax: 0.10.2.dev20260603
libtpu: 0.0.44.dev20260713+nightly
codegen_flags: <defaults>
</compile_context>

<pallas_src>
import functools

import jax
import jax.numpy as jnp
from jax import lax
from jax.experimental import pallas as pl
from jax.experimental.pallas import tpu as pltpu
from jax.experimental.pallas import tpu_sc as plsc

_M_SCALE = 3.0
_M_SHIFT = 2.0
_NS = 16


def _sc_body(nm, rpw, nm_hbm, m_hbm, f_hbm, vx_hbm, out_hbm,
             par_v, m_v, cols_v, out_v, acc_v, all_v, shared, sem, sem2):
    sid = lax.axis_index("s")
    base = sid * rpw
    cp_f = pltpu.async_copy(f_hbm.at[pl.ds(base, rpw)], cols_v, sem2)
    cp_nm = pltpu.async_copy(nm_hbm, par_v.at[pl.ds(0, 1)], sem)
    cp_vx = pltpu.async_copy(vx_hbm.at[pl.ds(0, 8)], par_v.at[pl.ds(8, 8)], sem)
    cp_m = pltpu.async_copy(m_hbm, m_v.at[pl.ds(0, nm)], sem)
    cp_nm.wait()
    cp_vx.wait()
    cp_m.wait()

    lane = lax.iota(jnp.int32, 16)
    pv = par_v[...]
    x = jnp.sum(jnp.where(lane == 0, pv, 0.0)) * _M_SCALE + _M_SHIFT
    dv = jnp.sum(jnp.where(lane == 9, pv, 0.0)) - jnp.sum(
        jnp.where(lane == 8, pv, 0.0))
    m0 = m_v[pl.ds(0, 16)]
    m1 = m_v[pl.ds(16, 16)]
    valid1 = (lane + 16) < nm
    cnt = (jnp.sum((m0 <= x).astype(jnp.int32))
           + jnp.sum((valid1 & (m1 <= x)).astype(jnp.int32)))
    j = jnp.clip(cnt, 1, nm - 1)
    jm1 = j - 1
    x0 = (jnp.sum(jnp.where(lane == jm1, m0, 0.0))
          + jnp.sum(jnp.where(lane + 16 == jm1, m1, 0.0)))
    x1 = (jnp.sum(jnp.where(lane == j, m0, 0.0))
          + jnp.sum(jnp.where(lane + 16 == j, m1, 0.0)))
    dx = x1 - x0
    dx_v = jnp.full((16,), dx, dtype=jnp.float32)
    num_v = jnp.full((16,), x - x0, dtype=jnp.float32)
    safe_dx_v = jnp.where(dx_v == 0.0, 1.0, dx_v)
    t = jnp.where(dx_v == 0.0, 1.0, num_v / safe_dx_v)
    t = jnp.clip(t, 0.0, 1.0)
    w0 = 1.0 - t
    w1 = t
    c0 = jnp.full((16,), jm1, dtype=jnp.int32)
    c1 = jnp.full((16,), j, dtype=jnp.int32)

    cp_f.wait()

    @plsc.parallel_loop(0, rpw, step=16, unroll=4,
                        carry=jnp.zeros((16,), jnp.float32))
    def acc(i, a):
        rid = i + lane
        v0 = plsc.load_gather(cols_v, [rid, c0])
        v1 = plsc.load_gather(cols_v, [rid, c1])
        o = v0 * w0 + v1 * w1
        out_v[pl.ds(i, 16)] = o
        return a + o

    acc_v[...] = acc
    pltpu.sync_copy(acc_v, shared.at[sid])
    plsc.subcore_barrier()
    pltpu.sync_copy(shared, all_v)
    tot = jnp.zeros((16,), jnp.float32)
    for r in range(_NS):
        tot = tot + all_v[r]
    s_v = jnp.full((16,), jnp.sum(tot), dtype=jnp.float32)
    dv_v = jnp.full((16,), dv, dtype=jnp.float32)
    inv = jnp.ones((16,), dtype=jnp.float32) / (s_v * dv_v)

    @plsc.parallel_loop(0, rpw, step=16, unroll=4)
    def _(i):
        out_v[pl.ds(i, 16)] = out_v[pl.ds(i, 16)] * inv

    pltpu.sync_copy(out_v, out_hbm.at[pl.ds(base, rpw)])


def kernel(normed_m, m_ax, f_vx_m, vx):
    nvx, nm = f_vx_m.shape
    rpw = nvx // _NS
    mesh = plsc.VectorSubcoreMesh(core_axis_name="c", subcore_axis_name="s",
                                  num_cores=1)
    run = pl.kernel(
        functools.partial(_sc_body, nm, rpw),
        out_type=jax.ShapeDtypeStruct((nvx,), jnp.float32),
        mesh=mesh,
        compiler_params=pltpu.CompilerParams(needs_layout_passes=False,
                                             use_tc_tiling_on_sc=False,
                                             skip_device_barrier=True,
                                             disable_bounds_checks=True,
                                             disable_semaphore_checks=True),
        scratch_types=[
            pltpu.VMEM((16,), jnp.float32),
            pltpu.VMEM((32,), jnp.float32),
            pltpu.VMEM((rpw, nm), jnp.float32),
            pltpu.VMEM((rpw,), jnp.float32),
            pltpu.VMEM((16,), jnp.float32),
            pltpu.VMEM((_NS, 16), jnp.float32),
            pltpu.VMEM_SHARED((_NS, 16), jnp.float32),
            pltpu.SemaphoreType.DMA,
            pltpu.SemaphoreType.DMA,
        ],
    )
    return run(normed_m.astype(jnp.float32).reshape(1), m_ax, f_vx_m, vx)

# --- scband reference (transcript-rebuilt; emitter-appended) ---
"""Pipeline reference for scband-dlm1-v-6674379178655 (READ-ONLY COPY).

The authoritative reference and input builder live on the scoring server;
editing this copy changes nothing except your own understanding.
"""

import jax, jax.numpy as jnp
import numpy as np


def setup_inputs() -> dict:
    nvx = 16384
    vmax = 6.0
    dv = 2 * vmax / nvx
    vx = jnp.linspace(-vmax + dv / 2, vmax - dv / 2, nvx).astype(jnp.float32)
    m_ax = jnp.linspace(2.0, 5.0, 31).astype(jnp.float32)
    # Stand-in for the tabulated DLM distribution table loaded from the .mat file
    # (super-Gaussian exp(-|v|^m) which is exactly what the DLM table contains).
    vx_ax = jnp.linspace(-10.0, 10.0, 200001).astype(jnp.float32)
    projected = jnp.exp(-jnp.abs(vx_ax)[:, None] ** m_ax[None, :])  # [200001, 31]
    # Mirror the __init__ interpolation onto the nvx grid: vmap over the m axis
    f_vx_m = jax.vmap(jnp.interp, in_axes=(None, None, 1), out_axes=1)(vx, vx_ax, projected)  # [nvx, 31]
    # normed_m = (m_val - m_shift) / m_scale = (2.6 - 2.0) / 3.0 = 0.2 (identity inv activation)
    normed_m = jnp.asarray(0.2, dtype=jnp.float32)
    return {"normed_m": normed_m, "m_ax": m_ax, "f_vx_m": f_vx_m, "vx": vx}


def reference(normed_m, m_ax, f_vx_m, vx):
    m_scale = 3.0
    m_shift = 2.0
    # activate=False -> act_fun is identity
    unnormed_m = normed_m * m_scale + m_shift
    # interpolate_f_in_m = vmap(jnp.interp, in_axes=(None, None, 0), out_axes=0)
    fdlm = jax.vmap(jnp.interp, in_axes=(None, None, 0), out_axes=0)(unnormed_m, m_ax, f_vx_m)  # [nvx]
    return fdlm / jnp.sum(fdlm) / (vx[1] - vx[0])

if __name__ == "__main__":
    import jax
    _d = setup_inputs()
    print(jax.jit(kernel)(*tuple(_d.values())))

</pallas_src>

<mosaic_0001>
#map = affine_map<(d0, d1) -> (0)>
#map1 = affine_map<(d0, d1) -> (0, 0)>
module attributes {stable_mosaic.version = 14 : i64} {
  func.func @_sc_body(%arg0: i32, %arg1: i32, %arg2: memref<1xf32, #tpu.memory_space<hbm>>, %arg3: memref<31xf32, #tpu.memory_space<hbm>>, %arg4: memref<16384x31xf32, #tpu.memory_space<hbm>>, %arg5: memref<16384xf32, #tpu.memory_space<hbm>>, %arg6: memref<16384xf32, #tpu.memory_space<hbm>>, %arg7: memref<16xf32, #tpu.memory_space<vmem>>, %arg8: memref<32xf32, #tpu.memory_space<vmem>>, %arg9: memref<1024x31xf32, #tpu.memory_space<vmem>>, %arg10: memref<1024xf32, #tpu.memory_space<vmem>>, %arg11: memref<16xf32, #tpu.memory_space<vmem>>, %arg12: memref<16x16xf32, #tpu.memory_space<vmem>>, %arg13: memref<16x16xf32, #tpu.memory_space<vmem_shared>>, %arg14: memref<!tpu.dma_semaphore, #tpu.memory_space<semaphore_mem>>, %arg15: memref<!tpu.dma_semaphore, #tpu.memory_space<semaphore_mem>>) attributes {dimension_semantics = [#tpu.dimension_semantics<core_parallel>, #tpu.dimension_semantics<subcore_parallel>], iteration_bounds = array<i64: 1, 16>, scalar_prefetch = 0 : i64, scratch_operands = 9 : i64, tpu.core_type = #tpu.core_type<sc_vector_subcore>, window_params = [{transform_indices = #map}, {transform_indices = #map}, {transform_indices = #map1}, {transform_indices = #map}, {transform_indices = #map}]} {
    %mul3A = arith.constant 1024 : i32
    %mul3A_0 = arith.muli %arg1, %mul3A : i32
    %dma_start3A = arith.constant 0 : i32
    %dma_start3A_1 = tpu.memref_slice %arg4[%mul3A_0, %dma_start3A] : memref<16384x31xf32, #tpu.memory_space<hbm>> -> memref<1024x31xf32, #tpu.memory_space<hbm>>
    %dma_start3A_2 = arith.constant 0 : i32
    %dma_start3A_3 = tpu.memref_slice %arg4[%mul3A_0, %dma_start3A_2] : memref<16384x31xf32, #tpu.memory_space<hbm>> -> memref<1024x31xf32, #tpu.memory_space<hbm>>
    tpu.enqueue_dma source(%dma_start3A_3 : memref<1024x31xf32, #tpu.memory_space<hbm>>) target(%arg9 : memref<1024x31xf32, #tpu.memory_space<vmem>>) target_semaphore(%arg15 : memref<!tpu.dma_semaphore, #tpu.memory_space<semaphore_mem>>)
    %dma_start3A_4 = arith.constant 0 : i32
    %dma_start3A_5 = tpu.memref_slice %arg7[%dma_start3A_4] : memref<16xf32, #tpu.memory_space<vmem>> -> memref<1xf32, #tpu.memory_space<vmem>>
    %dma_start3A_6 = arith.constant 0 : i32
    %dma_start3A_7 = tpu.memref_slice %arg7[%dma_start3A_6] : memref<16xf32, #tpu.memory_space<vmem>> -> memref<1xf32, #tpu.memory_space<vmem>>
    tpu.enqueue_dma source(%arg2 : memref<1xf32, #tpu.memory_space<hbm>>) target(%dma_start3A_7 : memref<1xf32, #tpu.memory_space<vmem>>) target_semaphore(%arg14 : memref<!tpu.dma_semaphore, #tpu.memory_space<semaphore_mem>>)
    %dma_start3A_8 = arith.constant 8 : i32
    %dma_start3A_9 = tpu.memref_slice %arg7[%dma_start3A_8] : memref<16xf32, #tpu.memory_space<vmem>> -> memref<8xf32, #tpu.memory_space<vmem>>
    %dma_start3A_10 = arith.constant 0 : i32
    %dma_start3A_11 = tpu.memref_slice %arg5[%dma_start3A_10] : memref<16384xf32, #tpu.memory_space<hbm>> -> memref<8xf32, #tpu.memory_space<hbm>>
    %dma_start3A_12 = arith.constant 8 : i32
    %dma_start3A_13 = tpu.memref_slice %arg7[%dma_start3A_12] : memref<16xf32, #tpu.memory_space<vmem>> -> memref<8xf32, #tpu.memory_space<vmem>>
    %dma_start3A_14 = arith.constant 0 : i32
    %dma_start3A_15 = tpu.memref_slice %arg5[%dma_start3A_14] : memref<16384xf32, #tpu.memory_space<hbm>> -> memref<8xf32, #tpu.memory_space<hbm>>
    tpu.enqueue_dma source(%dma_start3A_15 : memref<8xf32, #tpu.memory_space<hbm>>) target(%dma_start3A_13 : memref<8xf32, #tpu.memory_space<vmem>>) target_semaphore(%arg14 : memref<!tpu.dma_semaphore, #tpu.memory_space<semaphore_mem>>)
    %dma_start3A_16 = arith.constant 0 : i32
    %dma_start3A_17 = tpu.memref_slice %arg8[%dma_start3A_16] : memref<32xf32, #tpu.memory_space<vmem>> -> memref<31xf32, #tpu.memory_space<vmem>>
    %dma_start3A_18 = arith.constant 0 : i32
    %dma_start3A_19 = tpu.memref_slice %arg8[%dma_start3A_18] : memref<32xf32, #tpu.memory_space<vmem>> -> memref<31xf32, #tpu.memory_space<vmem>>
    tpu.enqueue_dma source(%arg3 : memref<31xf32, #tpu.memory_space<hbm>>) target(%dma_start3A_19 : memref<31xf32, #tpu.memory_space<vmem>>) target_semaphore(%arg14 : memref<!tpu.dma_semaphore, #tpu.memory_space<semaphore_mem>>)
    %dma_wait3A = arith.constant 0 : i32
    %dma_wait3A_20 = tpu.memref_slice %arg7[%dma_wait3A] : memref<16xf32, #tpu.memory_space<vmem>> -> memref<1xf32, #tpu.memory_space<vmem>>
    %dma_wait3A_21 = arith.constant 0 : i32
    %dma_wait3A_22 = tpu.memref_slice %arg7[%dma_wait3A_21] : memref<16xf32, #tpu.memory_space<vmem>> -> memref<1xf32, #tpu.memory_space<vmem>>
    tpu.wait_dma2 semaphore(%arg14 : memref<!tpu.dma_semaphore, #tpu.memory_space<semaphore_mem>>) src(%arg2 : memref<1xf32, #tpu.memory_space<hbm>>) dst(%dma_wait3A_22 : memref<1xf32, #tpu.memory_space<vmem>>)
    %dma_wait3A_23 = arith.constant 8 : i32
    %dma_wait3A_24 = tpu.memref_slice %arg7[%dma_wait3A_23] : memref<16xf32, #tpu.memory_space<vmem>> -> memref<8xf32, #tpu.memory_space<vmem>>
    %dma_wait3A_25 = arith.constant 0 : i32
    %dma_wait3A_26 = tpu.memref_slice %arg5[%dma_wait3A_25] : memref<16384xf32, #tpu.memory_space<hbm>> -> memref<8xf32, #tpu.memory_space<hbm>>
    %dma_wait3A_27 = arith.constant 8 : i32
    %dma_wait3A_28 = tpu.memref_slice %arg7[%dma_wait3A_27] : memref<16xf32, #tpu.memory_space<vmem>> -> memref<8xf32, #tpu.memory_space<vmem>>
    %dma_wait3A_29 = arith.constant 0 : i32
    %dma_wait3A_30 = tpu.memref_slice %arg5[%dma_wait3A_29] : memref<16384xf32, #tpu.memory_space<hbm>> -> memref<8xf32, #tpu.memory_space<hbm>>
    tpu.wait_dma2 semaphore(%arg14 : memref<!tpu.dma_semaphore, #tpu.memory_space<semaphore_mem>>) src(%dma_wait3A_30 : memref<8xf32, #tpu.memory_space<hbm>>) dst(%dma_wait3A_28 : memref<8xf32, #tpu.memory_space<vmem>>)
    %dma_wait3A_31 = arith.constant 0 : i32
    %dma_wait3A_32 = tpu.memref_slice %arg8[%dma_wait3A_31] : memref<32xf32, #tpu.memory_space<vmem>> -> memref<31xf32, #tpu.memory_space<vmem>>
    %dma_wait3A_33 = arith.constant 0 : i32
    %dma_wait3A_34 = tpu.memref_slice %arg8[%dma_wait3A_33] : memref<32xf32, #tpu.memory_space<vmem>> -> memref<31xf32, #tpu.memory_space<vmem>>
    tpu.wait_dma2 semaphore(%arg14 : memref<!tpu.dma_semaphore, #tpu.memory_space<semaphore_mem>>) src(%arg3 : memref<31xf32, #tpu.memory_space<hbm>>) dst(%dma_wait3A_34 : memref<31xf32, #tpu.memory_space<vmem>>)
    %iota3A = tpu.iota {dimensions = array<i32: 0>} : vector<16xi32>
    %get3A = arith.constant 0 : index
    %get3A_35 = tpu.vector_load %arg7[%get3A] {strides = array<i32>} : memref<16xf32, #tpu.memory_space<vmem>>, vector<16xf32>,
    %eq3A = arith.constant 0 : i32
    %eq3A_36 = vector.broadcast %eq3A : i32 to vector<16xi32>
    %eq3A_37 = arith.cmpi eq, %iota3A, %eq3A_36 : vector<16xi32>
    %jit3A = arith.constant 0.000000e+00 : f32
    %broadcast_in_dim3A = vector.broadcast %jit3A : f32 to vector<16xf32>
    %select_n3A = arith.select %eq3A_37, %get3A_35, %broadcast_in_dim3A : vector<16xi1>, vector<16xf32>
    %reduce_sum3A = arith.constant true
    %reduce_sum3A_38 = vector.broadcast %reduce_sum3A : i1 to vector<16xi1>
    %reduce_sum3A_39 = tpu.scan <sum>, %select_n3A masked %reduce_sum3A_38 : vector<16xf32>, vector<16xi1> -> vector<16xf32>
    %reduce_sum3A_40 = vector.extract %reduce_sum3A_39[15] : f32 from vector<16xf32>
    %mul3A_41 = arith.constant 3.000000e+00 : f32
    %mul3A_42 = arith.mulf %reduce_sum3A_40, %mul3A_41 : f32
    %add3A = arith.constant 2.000000e+00 : f32
    %add3A_43 = arith.addf %mul3A_42, %add3A : f32
    %eq3A_44 = arith.constant 9 : i32
    %eq3A_45 = vector.broadcast %eq3A_44 : i32 to vector<16xi32>
    %eq3A_46 = arith.cmpi eq, %iota3A, %eq3A_45 : vector<16xi32>
    %jit3A_47 = arith.constant 0.000000e+00 : f32
    %broadcast_in_dim3A_48 = vector.broadcast %jit3A_47 : f32 to vector<16xf32>
    %select_n3A_49 = arith.select %eq3A_46, %get3A_35, %broadcast_in_dim3A_48 : vector<16xi1>, vector<16xf32>
    %reduce_sum3A_50 = arith.constant true
    %reduce_sum3A_51 = vector.broadcast %reduce_sum3A_50 : i1 to vector<16xi1>
    %reduce_sum3A_52 = tpu.scan <sum>, %select_n3A_49 masked %reduce_sum3A_51 : vector<16xf32>, vector<16xi1> -> vector<16xf32>
    %reduce_sum3A_53 = vector.extract %reduce_sum3A_52[15] : f32 from vector<16xf32>
    %eq3A_54 = arith.constant 8 : i32
    %eq3A_55 = vector.broadcast %eq3A_54 : i32 to vector<16xi32>
    %eq3A_56 = arith.cmpi eq, %iota3A, %eq3A_55 : vector<16xi32>
    %jit3A_57 = arith.constant 0.000000e+00 : f32
    %broadcast_in_dim3A_58 = vector.broadcast %jit3A_57 : f32 to vector<16xf32>
    %select_n3A_59 = arith.select %eq3A_56, %get3A_35, %broadcast_in_dim3A_58 : vector<16xi1>, vector<16xf32>
    %reduce_sum3A_60 = arith.constant true
    %reduce_sum3A_61 = vector.broadcast %reduce_sum3A_60 : i1 to vector<16xi1>
    %reduce_sum3A_62 = tpu.scan <sum>, %select_n3A_59 masked %reduce_sum3A_61 : vector<16xf32>, vector<16xi1> -> vector<16xf32>
    %reduce_sum3A_63 = vector.extract %reduce_sum3A_62[15] : f32 from vector<16xf32>
    %sub3A = arith.subf %reduce_sum3A_53, %reduce_sum3A_63 : f32
    %get3A_64 = arith.constant 0 : index
    %get3A_65 = tpu.vector_load %arg8[%get3A_64] {strides = array<i32>} : memref<32xf32, #tpu.memory_space<vmem>>, vector<16xf32>,
    %get3A_66 = arith.constant 16 : index
    %get3A_67 = tpu.vector_load %arg8[%get3A_66] {strides = array<i32>} : memref<32xf32, #tpu.memory_space<vmem>>, vector<16xf32>,
    %add3A_68 = arith.constant 16 : i32
    %add3A_69 = vector.broadcast %add3A_68 : i32 to vector<16xi32>
    %add3A_70 = arith.addi %iota3A, %add3A_69 : vector<16xi32>
    %lt3A = arith.constant 31 : i32
    %lt3A_71 = vector.broadcast %lt3A : i32 to vector<16xi32>
    %lt3A_72 = arith.cmpi slt, %add3A_70, %lt3A_71 : vector<16xi32>
    %le3A = vector.broadcast %add3A_43 : f32 to vector<16xf32>
    %le3A_73 = arith.cmpf ole, %get3A_65, %le3A : vector<16xf32>
    %convert_element_type3A = arith.extui %le3A_73 : vector<16xi1> to vector<16xi32>
    %reduce_sum3A_74 = arith.constant true
    %reduce_sum3A_75 = vector.broadcast %reduce_sum3A_74 : i1 to vector<16xi1>
    %reduce_sum3A_76 = tpu.scan <sum>, %convert_element_type3A masked %reduce_sum3A_75 : vector<16xi32>, vector<16xi1> -> vector<16xi32>
    %reduce_sum3A_77 = vector.extract %reduce_sum3A_76[15] : i32 from vector<16xi32>
    %le3A_78 = vector.broadcast %add3A_43 : f32 to vector<16xf32>
    %le3A_79 = arith.cmpf ole, %get3A_67, %le3A_78 : vector<16xf32>
    %and3A = arith.andi %lt3A_72, %le3A_79 : vector<16xi1>
    %convert_element_type3A_80 = arith.extui %and3A : vector<16xi1> to vector<16xi32>
    %reduce_sum3A_81 = arith.constant true
    %reduce_sum3A_82 = vector.broadcast %reduce_sum3A_81 : i1 to vector<16xi1>
    %reduce_sum3A_83 = tpu.scan <sum>, %convert_element_type3A_80 masked %reduce_sum3A_82 : vector<16xi32>, vector<16xi1> -> vector<16xi32>
    %reduce_sum3A_84 = vector.extract %reduce_sum3A_83[15] : i32 from vector<16xi32>
    %add3A_85 = arith.addi %reduce_sum3A_77, %reduce_sum3A_84 : i32
    %jit3A_86 = arith.constant 1 : i32
    %jit3A_87 = arith.constant 30 : i32
    %max3A = arith.maxsi %jit3A_86, %add3A_85 : i32
    %min3A = arith.minsi %jit3A_87, %max3A : i32
    %sub3A_88 = arith.constant 1 : i32
    %sub3A_89 = arith.subi %min3A, %sub3A_88 : i32
    %eq3A_90 = vector.broadcast %sub3A_89 : i32 to vector<16xi32>
    %eq3A_91 = arith.cmpi eq, %iota3A, %eq3A_90 : vector<16xi32>
    %jit3A_92 = arith.constant 0.000000e+00 : f32
    %broadcast_in_dim3A_93 = vector.broadcast %jit3A_92 : f32 to vector<16xf32>
    %select_n3A_94 = arith.select %eq3A_91, %get3A_65, %broadcast_in_dim3A_93 : vector<16xi1>, vector<16xf32>
    %reduce_sum3A_95 = arith.constant true
    %reduce_sum3A_96 = vector.broadcast %reduce_sum3A_95 : i1 to vector<16xi1>
    %reduce_sum3A_97 = tpu.scan <sum>, %select_n3A_94 masked %reduce_sum3A_96 : vector<16xf32>, vector<16xi1> -> vector<16xf32>
    %reduce_sum3A_98 = vector.extract %reduce_sum3A_97[15] : f32 from vector<16xf32>
    %add3A_99 = arith.constant 16 : i32
    %add3A_100 = vector.broadcast %add3A_99 : i32 to vector<16xi32>
    %add3A_101 = arith.addi %iota3A, %add3A_100 : vector<16xi32>
    %eq3A_102 = vector.broadcast %sub3A_89 : i32 to vector<16xi32>
    %eq3A_103 = arith.cmpi eq, %add3A_101, %eq3A_102 : vector<16xi32>
    %jit3A_104 = arith.constant 0.000000e+00 : f32
    %broadcast_in_dim3A_105 = vector.broadcast %jit3A_104 : f32 to vector<16xf32>
    %select_n3A_106 = arith.select %eq3A_103, %get3A_67, %broadcast_in_dim3A_105 : vector<16xi1>, vector<16xf32>
    %reduce_sum3A_107 = arith.constant true
    %reduce_sum3A_108 = vector.broadcast %reduce_sum3A_107 : i1 to vector<16xi1>
    %reduce_sum3A_109 = tpu.scan <sum>, %select_n3A_106 masked %reduce_sum3A_108 : vector<16xf32>, vector<16xi1> -> vector<16xf32>
    %reduce_sum3A_110 = vector.extract %reduce_sum3A_109[15] : f32 from vector<16xf32>
    %add3A_111 = arith.addf %reduce_sum3A_98, %reduce_sum3A_110 : f32
    %eq3A_112 = vector.broadcast %min3A : i32 to vector<16xi32>
    %eq3A_113 = arith.cmpi eq, %iota3A, %eq3A_112 : vector<16xi32>
    %jit3A_114 = arith.constant 0.000000e+00 : f32
    %broadcast_in_dim3A_115 = vector.broadcast %jit3A_114 : f32 to vector<16xf32>
    %select_n3A_116 = arith.select %eq3A_113, %get3A_65, %broadcast_in_dim3A_115 : vector<16xi1>, vector<16xf32>
    %reduce_sum3A_117 = arith.constant true
    %reduce_sum3A_118 = vector.broadcast %reduce_sum3A_117 : i1 to vector<16xi1>
    %reduce_sum3A_119 = tpu.scan <sum>, %select_n3A_116 masked %reduce_sum3A_118 : vector<16xf32>, vector<16xi1> -> vector<16xf32>
    %reduce_sum3A_120 = vector.extract %reduce_sum3A_119[15] : f32 from vector<16xf32>
    %add3A_121 = arith.constant 16 : i32
    %add3A_122 = vector.broadcast %add3A_121 : i32 to vector<16xi32>
    %add3A_123 = arith.addi %iota3A, %add3A_122 : vector<16xi32>
    %eq3A_124 = vector.broadcast %min3A : i32 to vector<16xi32>
    %eq3A_125 = arith.cmpi eq, %add3A_123, %eq3A_124 : vector<16xi32>
    %jit3A_126 = arith.constant 0.000000e+00 : f32
    %broadcast_in_dim3A_127 = vector.broadcast %jit3A_126 : f32 to vector<16xf32>
    %select_n3A_128 = arith.select %eq3A_125, %get3A_67, %broadcast_in_dim3A_127 : vector<16xi1>, vector<16xf32>
    %reduce_sum3A_129 = arith.constant true
    %reduce_sum3A_130 = vector.broadcast %reduce_sum3A_129 : i1 to vector<16xi1>
    %reduce_sum3A_131 = tpu.scan <sum>, %select_n3A_128 masked %reduce_sum3A_130 : vector<16xf32>, vector<16xi1> -> vector<16xf32>
    %reduce_sum3A_132 = vector.extract %reduce_sum3A_131[15] : f32 from vector<16xf32>
    %add3A_133 = arith.addf %reduce_sum3A_120, %reduce_sum3A_132 : f32
    %sub3A_134 = arith.subf %add3A_133, %add3A_111 : f32
    %broadcast_in_dim3A_135 = vector.broadcast %sub3A_134 : f32 to vector<16xf32>
    %sub3A_136 = arith.subf %add3A_43, %add3A_111 : f32
    %broadcast_in_dim3A_137 = vector.broadcast %sub3A_136 : f32 to vector<16xf32>
    %eq3A_138 = arith.constant 0.000000e+00 : f32
    %eq3A_139 = vector.broadcast %eq3A_138 : f32 to vector<16xf32>
    %eq3A_140 = arith.cmpf oeq, %broadcast_in_dim3A_135, %eq3A_139 : vector<16xf32>
    %jit3A_141 = arith.constant 1.000000e+00 : f32
    %broadcast_in_dim3A_142 = vector.broadcast %jit3A_141 : f32 to vector<16xf32>
    %select_n3A_143 = arith.select %eq3A_140, %broadcast_in_dim3A_142, %broadcast_in_dim3A_135 : vector<16xi1>, vector<16xf32>
    %eq3A_144 = arith.constant 0.000000e+00 : f32
    %eq3A_145 = vector.broadcast %eq3A_144 : f32 to vector<16xf32>
    %eq3A_146 = arith.cmpf oeq, %broadcast_in_dim3A_135, %eq3A_145 : vector<16xf32>
    %div3A = arith.divf %broadcast_in_dim3A_137, %select_n3A_143 : vector<16xf32>
    %jit3A_147 = arith.constant 1.000000e+00 : f32
    %broadcast_in_dim3A_148 = vector.broadcast %jit3A_147 : f32 to vector<16xf32>
    %select_n3A_149 = arith.select %eq3A_146, %broadcast_in_dim3A_148, %div3A : vector<16xi1>, vector<16xf32>
    %jit3A_150 = arith.constant 0.000000e+00 : f32
    %jit3A_151 = arith.constant 1.000000e+00 : f32
    %max3A_152 = vector.broadcast %jit3A_150 : f32 to vector<16xf32>
    %max3A_153 = arith.maximumf %max3A_152, %select_n3A_149 : vector<16xf32>
    %min3A_154 = vector.broadcast %jit3A_151 : f32 to vector<16xf32>
    %min3A_155 = arith.minimumf %min3A_154, %max3A_153 : vector<16xf32>
    %sub3A_156 = arith.constant 1.000000e+00 : f32
    %sub3A_157 = vector.broadcast %sub3A_156 : f32 to vector<16xf32>
    %sub3A_158 = arith.subf %sub3A_157, %min3A_155 : vector<16xf32>
    %broadcast_in_dim3A_159 = vector.broadcast %sub3A_89 : i32 to vector<16xi32>
    %broadcast_in_dim3A_160 = vector.broadcast %min3A : i32 to vector<16xi32>
    %dma_wait3A_161 = arith.constant 0 : i32
    %dma_wait3A_162 = tpu.memref_slice %arg4[%mul3A_0, %dma_wait3A_161] : memref<16384x31xf32, #tpu.memory_space<hbm>> -> memref<1024x31xf32, #tpu.memory_space<hbm>>
    %dma_wait3A_163 = arith.constant 0 : i32
    %dma_wait3A_164 = tpu.memref_slice %arg4[%mul3A_0, %dma_wait3A_163] : memref<16384x31xf32, #tpu.memory_space<hbm>> -> memref<1024x31xf32, #tpu.memory_space<hbm>>
    tpu.wait_dma2 semaphore(%arg15 : memref<!tpu.dma_semaphore, #tpu.memory_space<semaphore_mem>>) src(%dma_wait3A_164 : memref<1024x31xf32, #tpu.memory_space<hbm>>) dst(%arg9 : memref<1024x31xf32, #tpu.memory_space<vmem>>)
    %broadcast_in_dim3A_165 = arith.constant 0.000000e+00 : f32
    %broadcast_in_dim3A_166 = vector.broadcast %broadcast_in_dim3A_165 : f32 to vector<16xf32>
    %parallel_loop3A = arith.constant 0 : i32
    %parallel_loop3A_167 = arith.constant 1024 : i32
    %parallel_loop3A_168 = arith.constant 16 : i32
    %parallel_loop3A_169 = scf.for %parallel_loop3A_266 = %parallel_loop3A to %parallel_loop3A_167 step %parallel_loop3A_168 iter_args(%parallel_loop3A_267 = %broadcast_in_dim3A_166) -> (vector<16xf32>)  : i32 {
      %parallel_loop3A_268 = vector.broadcast %parallel_loop3A_266 : i32 to vector<16xi32>
      %parallel_loop3A_269 = arith.addi %parallel_loop3A_268, %iota3A : vector<16xi32>
      %parallel_loop3A_270 = tpu.vector_load_idx %arg9[%parallel_loop3A_269, %broadcast_in_dim3A_159] : memref<1024x31xf32, #tpu.memory_space<vmem>>[vector<16xi32>, vector<16xi32>], vector<16xf32>,
      %parallel_loop3A_271 = tpu.vector_load_idx %arg9[%parallel_loop3A_269, %broadcast_in_dim3A_160] : memref<1024x31xf32, #tpu.memory_space<vmem>>[vector<16xi32>, vector<16xi32>], vector<16xf32>,
      %parallel_loop3A_272 = arith.mulf %parallel_loop3A_270, %sub3A_158 : vector<16xf32>
      %parallel_loop3A_273 = arith.mulf %parallel_loop3A_271, %min3A_155 : vector<16xf32>
      %parallel_loop3A_274 = arith.addf %parallel_loop3A_272, %parallel_loop3A_273 : vector<16xf32>
      %parallel_loop3A_275 = arith.index_cast %parallel_loop3A_266 : i32 to index
      %parallel_loop3A_276 = tpu.vector_load %arg10[%parallel_loop3A_275] {strides = array<i32>} : memref<1024xf32, #tpu.memory_space<vmem>>, vector<16xf32>,
      tpu.vector_store %arg10[%parallel_loop3A_275], %parallel_loop3A_274 {strides = array<i32>} : memref<1024xf32, #tpu.memory_space<vmem>>, vector<16xf32>,
      %parallel_loop3A_277 = arith.addf %parallel_loop3A_267, %parallel_loop3A_274 : vector<16xf32>
      scf.yield %parallel_loop3A_277 : vector<16xf32>
    } {sc.loop_unroll_factor = 4 : i64, sc.parallel_access}
    %swap3A = arith.constant 0 : index
    %swap3A_170 = tpu.vector_load %arg11[%swap3A] {strides = array<i32>} : memref<16xf32, #tpu.memory_space<vmem>>, vector<16xf32>,
    tpu.vector_store %arg11[%swap3A], %parallel_loop3A_169 {strides = array<i32>} : memref<16xf32, #tpu.memory_space<vmem>>, vector<16xf32>,
    "tpu.region"() ({
      %run_scoped3A = tpu.sem_alloc : memref<!tpu.dma_semaphore, #tpu.memory_space<semaphore_mem>>
      %dma_start3A_266 = arith.constant 0 : i32
      %dma_start3A_267 = tpu.memref_slice %arg13[%arg1, %dma_start3A_266] : memref<16x16xf32, #tpu.memory_space<vmem_shared>> -> memref<1x16xf32, #tpu.memory_space<vmem_shared>>
      %dma_start3A_268 = tpu.memref_squeeze %dma_start3A_267 : memref<1x16xf32, #tpu.memory_space<vmem_shared>> -> memref<16xf32, #tpu.memory_space<vmem_shared>>
      %dma_start3A_269 = arith.constant 0 : i32
      %dma_start3A_270 = tpu.memref_slice %arg13[%arg1, %dma_start3A_269] : memref<16x16xf32, #tpu.memory_space<vmem_shared>> -> memref<1x16xf32, #tpu.memory_space<vmem_shared>>
      %dma_start3A_271 = tpu.memref_squeeze %dma_start3A_270 : memref<1x16xf32, #tpu.memory_space<vmem_shared>> -> memref<16xf32, #tpu.memory_space<vmem_shared>>
      tpu.enqueue_dma source(%arg11 : memref<16xf32, #tpu.memory_space<vmem>>) target(%dma_start3A_271 : memref<16xf32, #tpu.memory_space<vmem_shared>>) target_semaphore(%run_scoped3A : memref<!tpu.dma_semaphore, #tpu.memory_space<semaphore_mem>>)
      %dma_wait3A_272 = arith.constant 0 : i32
      %dma_wait3A_273 = tpu.memref_slice %arg13[%arg1, %dma_wait3A_272] : memref<16x16xf32, #tpu.memory_space<vmem_shared>> -> memref<1x16xf32, #tpu.memory_space<vmem_shared>>
      %dma_wait3A_274 = tpu.memref_squeeze %dma_wait3A_273 : memref<1x16xf32, #tpu.memory_space<vmem_shared>> -> memref<16xf32, #tpu.memory_space<vmem_shared>>
      %dma_wait3A_275 = arith.constant 0 : i32
      %dma_wait3A_276 = tpu.memref_slice %arg13[%arg1, %dma_wait3A_275] : memref<16x16xf32, #tpu.memory_space<vmem_shared>> -> memref<1x16xf32, #tpu.memory_space<vmem_shared>>
      %dma_wait3A_277 = tpu.memref_squeeze %dma_wait3A_276 : memref<1x16xf32, #tpu.memory_space<vmem_shared>> -> memref<16xf32, #tpu.memory_space<vmem_shared>>
      tpu.wait_dma2 semaphore(%run_scoped3A : memref<!tpu.dma_semaphore, #tpu.memory_space<semaphore_mem>>) src(%arg11 : memref<16xf32, #tpu.memory_space<vmem>>) dst(%dma_wait3A_277 : memref<16xf32, #tpu.memory_space<vmem_shared>>)
      tpu.yield
    }) : () -> ()
    %barrier3A = arith.constant 0 : index
    tpu.barrier barrier_id(%barrier3A)
    "tpu.region"() ({
      %run_scoped3A = tpu.sem_alloc : memref<!tpu.dma_semaphore, #tpu.memory_space<semaphore_mem>>
      tpu.enqueue_dma source(%arg13 : memref<16x16xf32, #tpu.memory_space<vmem_shared>>) target(%arg12 : memref<16x16xf32, #tpu.memory_space<vmem>>) target_semaphore(%run_scoped3A : memref<!tpu.dma_semaphore, #tpu.memory_space<semaphore_mem>>)
      tpu.wait_dma2 semaphore(%run_scoped3A : memref<!tpu.dma_semaphore, #tpu.memory_space<semaphore_mem>>) src(%arg13 : memref<16x16xf32, #tpu.memory_space<vmem_shared>>) dst(%arg12 : memref<16x16xf32, #tpu.memory_space<vmem>>)
      tpu.yield
    }) : () -> ()
    %broadcast_in_dim3A_171 = arith.constant 0.000000e+00 : f32
    %broadcast_in_dim3A_172 = vector.broadcast %broadcast_in_dim3A_171 : f32 to vector<16xf32>
    %get3A_173 = arith.constant 0 : i32
    %get3A_174 = arith.index_cast %get3A_173 : i32 to index
    %get3A_175 = arith.constant 0 : index
    %get3A_176 = tpu.vector_load %arg12[%get3A_174, %get3A_175] {strides = array<i32>} : memref<16x16xf32, #tpu.memory_space<vmem>>, vector<16xf32>,
    %add3A_177 = arith.addf %broadcast_in_dim3A_172, %get3A_176 : vector<16xf32>
    %get3A_178 = arith.constant 1 : i32
    %get3A_179 = arith.index_cast %get3A_178 : i32 to index
    %get3A_180 = arith.constant 0 : index
    %get3A_181 = tpu.vector_load %arg12[%get3A_179, %get3A_180] {strides = array<i32>} : memref<16x16xf32, #tpu.memory_space<vmem>>, vector<16xf32>,
    %add3A_182 = arith.addf %add3A_177, %get3A_181 : vector<16xf32>
    %get3A_183 = arith.constant 2 : i32
    %get3A_184 = arith.index_cast %get3A_183 : i32 to index
    %get3A_185 = arith.constant 0 : index
    %get3A_186 = tpu.vector_load %arg12[%get3A_184, %get3A_185] {strides = array<i32>} : memref<16x16xf32, #tpu.memory_space<vmem>>, vector<16xf32>,
    %add3A_187 = arith.addf %add3A_182, %get3A_186 : vector<16xf32>
    %get3A_188 = arith.constant 3 : i32
    %get3A_189 = arith.index_cast %get3A_188 : i32 to index
    %get3A_190 = arith.constant 0 : index
    %get3A_191 = tpu.vector_load %arg12[%get3A_189, %get3A_190] {strides = array<i32>} : memref<16x16xf32, #tpu.memory_space<vmem>>, vector<16xf32>,
    %add3A_192 = arith.addf %add3A_187, %get3A_191 : vector<16xf32>
    %get3A_193 = arith.constant 4 : i32
    %get3A_194 = arith.index_cast %get3A_193 : i32 to index
    %get3A_195 = arith.constant 0 : index
    %get3A_196 = tpu.vector_load %arg12[%get3A_194, %get3A_195] {strides = array<i32>} : memref<16x16xf32, #tpu.memory_space<vmem>>, vector<16xf32>,
    %add3A_197 = arith.addf %add3A_192, %get3A_196 : vector<16xf32>
    %get3A_198 = arith.constant 5 : i32
    %get3A_199 = arith.index_cast %get3A_198 : i32 to index
    %get3A_200 = arith.constant 0 : index
    %get3A_201 = tpu.vector_load %arg12[%get3A_199, %get3A_200] {strides = array<i32>} : memref<16x16xf32, #tpu.memory_space<vmem>>, vector<16xf32>,
    %add3A_202 = arith.addf %add3A_197, %get3A_201 : vector<16xf32>
    %get3A_203 = arith.constant 6 : i32
    %get3A_204 = arith.index_cast %get3A_203 : i32 to index
    %get3A_205 = arith.constant 0 : index
    %get3A_206 = tpu.vector_load %arg12[%get3A_204, %get3A_205] {strides = array<i32>} : memref<16x16xf32, #tpu.memory_space<vmem>>, vector<16xf32>,
    %add3A_207 = arith.addf %add3A_202, %get3A_206 : vector<16xf32>
    %get3A_208 = arith.constant 7 : i32
    %get3A_209 = arith.index_cast %get3A_208 : i32 to index
    %get3A_210 = arith.constant 0 : index
    %get3A_211 = tpu.vector_load %arg12[%get3A_209, %get3A_210] {strides = array<i32>} : memref<16x16xf32, #tpu.memory_space<vmem>>, vector<16xf32>,
    %add3A_212 = arith.addf %add3A_207, %get3A_211 : vector<16xf32>
    %get3A_213 = arith.constant 8 : i32
    %get3A_214 = arith.index_cast %get3A_213 : i32 to index
    %get3A_215 = arith.constant 0 : index
    %get3A_216 = tpu.vector_load %arg12[%get3A_214, %get3A_215] {strides = array<i32>} : memref<16x16xf32, #tpu.memory_space<vmem>>, vector<16xf32>,
    %add3A_217 = arith.addf %add3A_212, %get3A_216 : vector<16xf32>
    %get3A_218 = arith.constant 9 : i32
    %get3A_219 = arith.index_cast %get3A_218 : i32 to index
    %get3A_220 = arith.constant 0 : index
    %get3A_221 = tpu.vector_load %arg12[%get3A_219, %get3A_220] {strides = array<i32>} : memref<16x16xf32, #tpu.memory_space<vmem>>, vector<16xf32>,
    %add3A_222 = arith.addf %add3A_217, %get3A_221 : vector<16xf32>
    %get3A_223 = arith.constant 10 : i32
    %get3A_224 = arith.index_cast %get3A_223 : i32 to index
    %get3A_225 = arith.constant 0 : index
    %get3A_226 = tpu.vector_load %arg12[%get3A_224, %get3A_225] {strides = array<i32>} : memref<16x16xf32, #tpu.memory_space<vmem>>, vector<16xf32>,
    %add3A_227 = arith.addf %add3A_222, %get3A_226 : vector<16xf32>
    %get3A_228 = arith.constant 11 : i32
    %get3A_229 = arith.index_cast %get3A_228 : i32 to index
    %get3A_230 = arith.constant 0 : index
    %get3A_231 = tpu.vector_load %arg12[%get3A_229, %get3A_230] {strides = array<i32>} : memref<16x16xf32, #tpu.memory_space<vmem>>, vector<16xf32>,
    %add3A_232 = arith.addf %add3A_227, %get3A_231 : vector<16xf32>
    %get3A_233 = arith.constant 12 : i32
    %get3A_234 = arith.index_cast %get3A_233 : i32 to index
    %get3A_235 = arith.constant 0 : index
    %get3A_236 = tpu.vector_load %arg12[%get3A_234, %get3A_235] {strides = array<i32>} : memref<16x16xf32, #tpu.memory_space<vmem>>, vector<16xf32>,
    %add3A_237 = arith.addf %add3A_232, %get3A_236 : vector<16xf32>
    %get3A_238 = arith.constant 13 : i32
    %get3A_239 = arith.index_cast %get3A_238 : i32 to index
    %get3A_240 = arith.constant 0 : index
    %get3A_241 = tpu.vector_load %arg12[%get3A_239, %get3A_240] {strides = array<i32>} : memref<16x16xf32, #tpu.memory_space<vmem>>, vector<16xf32>,
    %add3A_242 = arith.addf %add3A_237, %get3A_241 : vector<16xf32>
    %get3A_243 = arith.constant 14 : i32
    %get3A_244 = arith.index_cast %get3A_243 : i32 to index
    %get3A_245 = arith.constant 0 : index
    %get3A_246 = tpu.vector_load %arg12[%get3A_244, %get3A_245] {strides = array<i32>} : memref<16x16xf32, #tpu.memory_space<vmem>>, vector<16xf32>,
    %add3A_247 = arith.addf %add3A_242, %get3A_246 : vector<16xf32>
    %get3A_248 = arith.constant 15 : i32
    %get3A_249 = arith.index_cast %get3A_248 : i32 to index
    %get3A_250 = arith.constant 0 : index
    %get3A_251 = tpu.vector_load %arg12[%get3A_249, %get3A_250] {strides = array<i32>} : memref<16x16xf32, #tpu.memory_space<vmem>>, vector<16xf32>,
    %add3A_252 = arith.addf %add3A_247, %get3A_251 : vector<16xf32>
    %reduce_sum3A_253 = arith.constant true
    %reduce_sum3A_254 = vector.broadcast %reduce_sum3A_253 : i1 to vector<16xi1>
    %reduce_sum3A_255 = tpu.scan <sum>, %add3A_252 masked %reduce_sum3A_254 : vector<16xf32>, vector<16xi1> -> vector<16xf32>
    %reduce_sum3A_256 = vector.extract %reduce_sum3A_255[15] : f32 from vector<16xf32>
    %broadcast_in_dim3A_257 = vector.broadcast %reduce_sum3A_256 : f32 to vector<16xf32>
    %broadcast_in_dim3A_258 = vector.broadcast %sub3A : f32 to vector<16xf32>
    %broadcast_in_dim3A_259 = arith.constant 1.000000e+00 : f32
    %broadcast_in_dim3A_260 = vector.broadcast %broadcast_in_dim3A_259 : f32 to vector<16xf32>
    %mul3A_261 = arith.mulf %broadcast_in_dim3A_257, %broadcast_in_dim3A_258 : vector<16xf32>
    %div3A_262 = arith.divf %broadcast_in_dim3A_260, %mul3A_261 : vector<16xf32>
    %parallel_loop3A_263 = arith.constant 0 : i32
    %parallel_loop3A_264 = arith.constant 1024 : i32
    %parallel_loop3A_265 = arith.constant 16 : i32
    scf.for %parallel_loop3A_266 = %parallel_loop3A_263 to %parallel_loop3A_264 step %parallel_loop3A_265  : i32 {
      %parallel_loop3A_267 = arith.index_cast %parallel_loop3A_266 : i32 to index
      %parallel_loop3A_268 = tpu.vector_load %arg10[%parallel_loop3A_267] {strides = array<i32>} : memref<1024xf32, #tpu.memory_space<vmem>>, vector<16xf32>,
      %parallel_loop3A_269 = arith.mulf %parallel_loop3A_268, %div3A_262 : vector<16xf32>
      %parallel_loop3A_270 = arith.index_cast %parallel_loop3A_266 : i32 to index
      %parallel_loop3A_271 = tpu.vector_load %arg10[%parallel_loop3A_270] {strides = array<i32>} : memref<1024xf32, #tpu.memory_space<vmem>>, vector<16xf32>,
      tpu.vector_store %arg10[%parallel_loop3A_270], %parallel_loop3A_269 {strides = array<i32>} : memref<1024xf32, #tpu.memory_space<vmem>>, vector<16xf32>,
    } {sc.loop_unroll_factor = 4 : i64, sc.parallel_access}
    "tpu.region"() ({
      %run_scoped3A = tpu.sem_alloc : memref<!tpu.dma_semaphore, #tpu.memory_space<semaphore_mem>>
      %dma_start3A_266 = tpu.memref_slice %arg6[%mul3A_0] : memref<16384xf32, #tpu.memory_space<hbm>> -> memref<1024xf32, #tpu.memory_space<hbm>>
      %dma_start3A_267 = tpu.memref_slice %arg6[%mul3A_0] : memref<16384xf32, #tpu.memory_space<hbm>> -> memref<1024xf32, #tpu.memory_space<hbm>>
      tpu.enqueue_dma source(%arg10 : memref<1024xf32, #tpu.memory_space<vmem>>) target(%dma_start3A_267 : memref<1024xf32, #tpu.memory_space<hbm>>) target_semaphore(%run_scoped3A : memref<!tpu.dma_semaphore, #tpu.memory_space<semaphore_mem>>)
      %dma_wait3A_268 = tpu.memref_slice %arg6[%mul3A_0] : memref<16384xf32, #tpu.memory_space<hbm>> -> memref<1024xf32, #tpu.memory_space<hbm>>
      %dma_wait3A_269 = tpu.memref_slice %arg6[%mul3A_0] : memref<16384xf32, #tpu.memory_space<hbm>> -> memref<1024xf32, #tpu.memory_space<hbm>>
      tpu.wait_dma2 semaphore(%run_scoped3A : memref<!tpu.dma_semaphore, #tpu.memory_space<semaphore_mem>>) src(%arg10 : memref<1024xf32, #tpu.memory_space<vmem>>) dst(%dma_wait3A_269 : memref<1024xf32, #tpu.memory_space<hbm>>)
      tpu.yield
    }) : () -> ()
    return
  }
}

</mosaic_0001>

<sc_bundles>
// kernel: kernel.3.cloned.1.call-start
scs
__scs_entry_jumppad:
0x0: {  	(pc) =	sbr.rel $0x88, $3  }
0x1: {  	(tag) =	ssettag $0x0;
	lr =	simm.s32 $0x1  }
0x2: {  	[smem:$0x3F9D] =	sst lr;
	_ =	strace $0xD0000000  }
0x3: {  	_ = 	snop  }
0x4: {  	_ = 	snop  }
0x5: {  	_ = 	snop  }
0x6: {  	_ = 	snop  }
0x7: {  	_ = 	snop  }
__scs_overlays_trampoline_lowered:
0x8: {  	[smem:$0x3FAC] =	sst s0  }
0x9: {  	[smem:$0x3FAD] =	sst s1  }
0xa: {  	[smem:$0x3FAE] =	sst s2  }
0xb: {  	[smem:$0x3FAF] =	sst s3  }
0xc: {  	[smem:$0x3FB0] =	sst s4  }
0xd: {  	[smem:$0x3FB1] =	sst s5  }
0xe: {  	[smem:$0x3FB2] =	sst s6  }
0xf: {  	[smem:$0x3FB3] =	sst s7  }
0x10: {  	[smem:$0x3FB4] =	sst s8  }
0x11: {  	[smem:$0x3FB5] =	sst s9;
	s0 =	simm.s32 @!p0 $0x0  }
0x12: {  	s1 =	sld [smem:$0x3F9B];
	s0 =	simm.s32 @p0 $0x1  }
0x13: {  	[smem:$0x3FB6] =	sst s0;
	s0 =	simm.s32 @!p1 $0x0  }
0x14: {  	s2 =	sld [smem:$0x3F9A];
	s0 =	simm.s32 @p1 $0x1  }
0x15: {  	[smem:$0x3FB7] =	sst s0;
	s0 =	simm.s32 @!p2 $0x0  }
0x16: {  	s3 =	sld [smem:$0x3FDB];
	s0 =	simm.s32 @p2 $0x1  }
0x17: {  	s4 =	simm.s32 $0x1BF5;
	[smem:$0x3FB9] =	sst s0  }
0x18: {  	s0 =	sld [smem:$0x3F9C];
	_ =	swait.ge [sflag:s4], $0x0  }
0x19: {  	s7 =	sld [smem:$0x3F9D]  }
0x1a: {  	s8 =	sadd.s32 $0xFFFFE003, lr  }
0x1b: {  	s9 =	sadd.s32 $0xFFFFFEF7, lr;
	s5 =	simm.s32 $0xFFFFFFFF;
	p2 =	slt.u32 s8, $0xFFFFF086  }
0x1c: {  	p1 =	slt.u32 s9, $0xF7A;
	s5 =	simm.s32 @!p2 $0x0  }
0x1d: {  	s5 =	simm.s32 @p1 $0x1;
	p0 =	seq.s32 s7, s2  }
0x1e: {  	s7 =	smul.u32 @!p0 $0xF7A, s2;
	p2 =	seq.s32 @!p0 s5, $0x0  }
0x1f: {  	s9 =	smul.u32 $0xF7A, s1;
	s8 =	simm.s32 @!p0 $0x1BF5;
	p2 =	por !p2, p0  }
0x20: {  	[sflag:s8] =	ssyncset.s32 @!p0 $0xFFFFF086;
	s6 =	sadd.s32 @!p0 s3, s7;
	s7 =	simm.s32 @!p0 $0x108  }
0x21: {  	s3 =	sadd.s32 s3, s9;
	s6 =	sadd.s32 @!p0 $0x88, s6;
	s7 =	simm.s32 @p2 $0x1082  }
0x22: {  	[simem:s7], [sflag:s8] =	dma.local @!p0 [hbm:s6], $0xF7A  }
0x23: {  	s9 =	sor.u32 $0xD0000000, s2;
	s6 =	simm.s32 $0x108;
	_ =	swait.ge @!p0 [sflag:s8], $0x0  }
0x24: {  	s3 =	sadd.s32 $0x88, s3;
	s6 =	simm.s32 @!p1 $0x1082;
	[sflag:s4] =	ssyncset.s32 $0xFFFFF086  }
0x25: {  	[simem:s6], [sflag:s4] =	dma.local [hbm:s3], $0xF7A  }
0x26: {  	[smem:$0x3F9D] =	sst s1;
	(tag) =	ssettag s2;
	_ =	strace s9  }
0x27: {  	s1 =	sld [smem:$0x3FAD]  }
0x28: {  	s2 =	sld [smem:$0x3FAE]  }
0x29: {  	s4 =	sld [smem:$0x3FB0]  }
0x2a: {  	p0 =	seq.s32 s5, $0x0;
	s5 =	sld [smem:$0x3FB1]  }
0x2b: {  	s6 =	sld [smem:$0x3FB2]  }
0x2c: {  	s7 =	sld [smem:$0x3FB3]  }
0x2d: {  	s3 =	simm.s32 $0x108;
	s8 =	sld [smem:$0x3FB4]  }
0x2e: {  	s3 =	simm.s32 @!p0 $0x1082;
	s9 =	sld [smem:$0x3FB5]  }
0x2f: {  	lr =	sadd.s32 s0, s3;
	s0 =	sld [smem:$0x3FAC]  }
0x30: {  	s3 =	sld [smem:$0x3FAF]  }
0x31: {  	[smem:$0x3FB8] =	sst s10  }
0x32: {  	s10 =	sld [smem:$0x3FB6];
	_ =	sdelay $0x3  }
0x33: {  	p0 =	seq.s32 s10, $0x1;
	s10 =	sld [smem:$0x3FB8];
	_ =	sdelay $0x3  }
0x34: {  	[smem:$0x3FB8] =	sst s10  }
0x35: {  	s10 =	sld [smem:$0x3FB7];
	_ =	sdelay $0x3  }
0x36: {  	p1 =	seq.s32 s10, $0x1;
	s10 =	sld [smem:$0x3FB8];
	_ =	sdelay $0x3  }
0x37: {  	[smem:$0x3FB8] =	sst s10  }
0x38: {  	s10 =	sld [smem:$0x3FB9]  }
0x39: {  	_ = 	snop;
	(pc) =	sbr.ind lr, $3  }
0x3a: {  	_ = 	snop  }
0x3b: {  	_ = 	snop  }
0x3c: {  	p2 =	seq.s32 s10, $0x1;
	s10 =	sld [smem:$0x3FB8]  }
0x3d: {  	_ =	shalt  }
0x3e: {  	_ =	shalt  }
0x3f: {  	_ =	shalt  }
0x40: {  	_ =	shalt  }
0x41: {  	_ =	shalt  }
0x42: {  	_ =	shalt  }
0x43: {  	_ =	shalt  }
0x44: {  	_ =	shalt  }
0x45: {  	_ =	shalt  }
0x46: {  	_ =	shalt  }
0x47: {  	_ =	shalt  }
0x48: {  	_ =	shalt  }
0x49: {  	_ =	shalt  }
0x4a: {  	_ =	shalt  }
0x4b: {  	_ =	shalt  }
0x4c: {  	_ =	shalt  }
0x4d: {  	_ =	shalt  }
0x4e: {  	_ =	shalt  }
0x4f: {  	_ =	shalt  }
0x50: {  	_ =	shalt  }
0x51: {  	_ =	shalt  }
0x52: {  	_ =	shalt  }
0x53: {  	_ =	shalt  }
0x54: {  	_ =	shalt  }
0x55: {  	_ =	shalt  }
0x56: {  	_ =	shalt  }
0x57: {  	_ =	shalt  }
0x58: {  	_ =	shalt  }
0x59: {  	_ =	shalt  }
0x5a: {  	_ =	shalt  }
0x5b: {  	_ =	shalt  }
0x5c: {  	_ =	shalt  }
0x5d: {  	_ =	shalt  }
0x5e: {  	_ =	shalt  }
0x5f: {  	_ =	shalt  }
0x60: {  	_ =	shalt  }
0x61: {  	_ =	shalt  }
0x62: {  	_ =	shalt  }
0x63: {  	_ =	shalt  }
0x64: {  	_ =	shalt  }
0x65: {  	_ =	shalt  }
0x66: {  	_ =	shalt  }
0x67: {  	_ =	shalt  }
0x68: {  	_ =	shalt  }
0x69: {  	_ =	shalt  }
0x6a: {  	_ =	shalt  }
0x6b: {  	_ =	shalt  }
0x6c: {  	_ =	shalt  }
0x6d: {  	_ =	shalt  }
0x6e: {  	_ =	shalt  }
0x6f: {  	_ =	shalt  }
0x70: {  	_ =	shalt  }
0x71: {  	_ =	shalt  }
0x72: {  	_ =	shalt  }
0x73: {  	_ =	shalt  }
0x74: {  	_ =	shalt  }
0x75: {  	_ =	shalt  }
0x76: {  	_ =	shalt  }
0x77: {  	_ =	shalt  }
0x78: {  	_ =	shalt  }
0x79: {  	_ =	shalt  }
0x7a: {  	_ =	shalt  }
0x7b: {  	_ =	shalt  }
0x7c: {  	_ =	shalt  }
0x7d: {  	_ =	shalt  }
0x7e: {  	_ =	shalt  }
0x7f: {  	_ =	shalt  }
0x80: {  	_ =	shalt  }
0x81: {  	_ =	shalt  }
0x82: {  	_ =	shalt  }
0x83: {  	_ =	shalt  }
0x84: {  	_ =	shalt  }
0x85: {  	_ =	shalt  }
0x86: {  	_ =	shalt  }
0x87: {  	_ =	shalt  }
.Lfunc_end0:
.L_simem_size_0:
called_computation_lowered:
.L_overlay_start_0:
0x88: {  	s0 =	sld [smem:$0x3FD9]  }
0x89: {  	s1 =	sld [smem:$0x3FFE];
	_ =	sdelay $0x3  }
0x8a: {  	s0 =	sadd.s32 s1, s0  }
0x8b: {  	[smem:$0x3FC4] =	sst s0  }
0x8c: {  	_ = 	snop  }
0x8d: {  	s0 =	sld [smem:$0x3FC9]  }
0x8e: {  	s16 =	sld [smem:$0x3FC8]  }
0x8f: {  	s2 =	sld [smem:$0x3FC6]  }
0x90: {  	s3 =	sld [smem:$0x3FD0];
	(tm) =	ssettm $0x1  }
0x91: {  	s4 =	sld [smem:$0x3FFB];
	_ =	sdelay $0x3  }
0x92: {  	_ =	strace s4  }
0x93: {  	s4 =	sld [smem:$0x3FFC];
	_ =	sdelay $0x3  }
0x94: {  	_ =	strace s4  }
0x95: {  	s4 =	sld [smem:$0x3FFD];
	_ =	sdelay $0x3  }
0x96: {  	_ =	strace s4  }
0x97: {  	_ =	strace $0x8FFFFFFF  }
0x98: {  	s17 =	sld [smem:$0x3FDB];
	_ =	sdelay $0x1  }
0x99: {  	s5 =	simm.s32 $_scs_section_size  }
0x9a: {  	s6 =	simm.s32 $_size__tile_overlayer_lowered;
	s7 =	simm.s32 $_tile_overlayer_lowered  }
0x9b: {  	s20 =	simm.s32 $0x1BFF;
	s19 =	sshll.u32 s7, $0x1;
	s4 =	sadd.s32 s5, s17  }
0x9c: {  	s8 =	simm.s32 $0x0;
	s18 =	sshll.u32 s6, $0x1;
	s6 =	sadd.s32 s19, s4  }
0x9d: {  	[timem:s8], [sflag:s20] =	dma.local [hbm:s6], s18  }
0x9e: {  	_ =	swait.ge [sflag:s20], s18  }
0x9f: {  	s5 =	ssub.s32 $0x0, s18;
	[sflag:s20] =	ssyncset.done $0x0  }
0xa0: {  	[sflag:s20] =	ssyncadd.s32 s5;
	_ =	sdelay $0x1  }
0xa1: {  	s21 =	simm.s32 $0x1B8B  }
0xa2: {  	_ =	swait.ge [sflag:s21], $0x1  }
0xa3: {  	[sflag:s21] =	ssyncset.done $0x0  }
0xa4: {  	s23 =	simm.s32 $0x1B8E;
	s22 =	sld [smem:$0x3FFE];
	[sflag:s21] =	ssyncadd.s32 $0xFFFFFFFF  }
0xa5: {  	s24 =	simm.s32 $execute0_lowered;
	[smem:$0x3FD2] =	sst s23  }
0xa6: {  	s6 =	sshll.u32 s24, $0x1;
	_ =	strace $0x80000046;
	[dreg:$0x1] =	wrdreg $0xFFFFFFFF  }
0xa7: {  	s25 =	simm.s32 $_size_execute0_lowered;
	s4 =	sadd.s32 s4, s6;
	[dreg:$0x0] =	wrdreg $0x0  }
0xa8: {  	s6 =	sshll.u32 s25, $0x1;
	[dreg:$0x2] =	wrdreg s4  }
0xa9: {  	[dreg:$0x3] =	wrdreg s6  }
0xaa: {  	[dreg:$0x4] =	wrdreg $0xC0  }
0xab: {  	_ =	task [dreg:s8], $0x5FFFF  }
0xac: {  	[dreg:$0x1] =	wrdreg $0xFFFFFFFF  }
0xad: {  	[dreg:$0x0] =	wrdreg $0x60  }
0xae: {  	[dreg:$0x2] =	wrdreg s0  }
0xaf: {  	[dreg:$0x3] =	wrdreg s16  }
0xb0: {  	[dreg:$0x4] =	wrdreg s22  }
0xb1: {  	[dreg:$0x5] =	wrdreg s2  }
0xb2: {  	[dreg:$0x6] =	wrdreg s3  }
0xb3: {  	[dreg:$0x7] =	wrdreg $0x85400  }
0xb4: {  	[dreg:$0x8] =	wrdreg $0x9  }
0xb5: {  	_ =	task.clear_ibuf [dreg:s8], $0x9FFFF;
	_ =	strace $0x90000046  }
0xb6: {  	s26 =	simm.s32 $0x9;
	_ =	strace $0x80000048  }
0xb7: {  	_ =	swait.ge [sflag:s26], $0x1  }
0xb8: {  	[sflag:s26] =	ssyncadd.s32 $0xFFFFFFFF  }
0xb9: {  	_ =	strace $0x90000048  }
0xba: {  	_ =	sfence  }
0xbb: {  	s28 =	sld [smem:$0x0];
	_ =	sdelay $0x1  }
0xbc: {  	s29 =	srdreg.scid  }
0xbd: {  	s30 =	sshll.u32 s29, $0xD;
	s31 =	sshrl.u32 s29, $0x2  }
0xbe: {  	s1 =	sand.u32 $0x1, s29;
	s2 =	sand.u32 $0x4000, s30;
	s0 =	sadd.s32 s31, s28  }
0xbf: {  	s1 =	sor.u32 s2, s1;
	s0 =	sshll.u32 s0, $0x11  }
0xc0: {  	s0 =	sor.u32 s0, s1  }
0xc1: {  	s0 =	sadd.s32 $0x8F2B, s0  }
0xc2: {  	[sflag:s0] =	ssyncadd.remote.s32 $0x1  }
0xc3: {  	_ =	sfence.sel $0xFFFF  }
0xc4: {  	[dreg:$0x0] =	wrdreg $0xFFFFFFFF;
	(pc) =	sbr.abs _section_cstart, $3  }
0xc5: {  	[dreg:$0x1] =	wrdreg $0xFFFFFFFF  }
0xc6: {  	_ =	task.clear_ibuf [dreg:s8], $0x2FFFF;
	_ =	strace $0x9FFFFFFF  }
0xc7: {  	(tm) =	ssettm $0x7FFFFFFF  }
tec
execute0_lowered:
.L_overlay_start_1:
0x0: {  	(tag) =	ssettag $0x1  }
0x1: {  	s6 =	rddreg [dreg:$0x0]  }
0x2: {  	s7 =	rddreg [dreg:$0x1]  }
0x3: {  	s4 =	rddreg [dreg:$0x2]  }
0x4: {  	s8 =	rddreg [dreg:$0x3]  }
0x5: {  	s2 =	rddreg [dreg:$0x4]  }
0x6: {  	s3 =	rddreg [dreg:$0x5];
	s1 =	stileid.u32  }
0x7: {  	s0 =	rddreg [dreg:$0x6];
	s5 =	simm.s32 $0x0;
	s9 =	sshll.u32 s1, $0xC  }
0x8: {  	[smem:$0x7FF] =	sst s5;
	s4 =	sadd.s32 s9, s4  }
0x9: {  	_ =	strace $0x80000047;
	s9 =	sadd.s32 $0x400, s4;
	s4 =	simm.s32 $0x30  }
0xa: {  	[tilespmem:s4], [sflag:$0x2] =	stream.linear.gather [hbm4b:s9+s5], $0x8000, $0x38;
	[tilespmem:$0x8550] =	vst v63  }
0xb: {  	_ = 	snop  }
0xc: {  	[tilespmem:s5], [sflag:$0x1] =	stream.linear.gather [hbm4b:s6+s5], $0x1, $0x38;
	[tilespmem:$0x8550] =	vst v63  }
0xd: {  	s31 =	simm.s32 $0x8  }
0xe: {  	[tilespmem:s31], [sflag:$0x1] =	stream.linear.gather [hbm4b:s8+s5], $0x8, $0x38;
	[tilespmem:$0x8550] =	vst v63  }
0xf: {  	s9 =	simm.s32 $0x1;
	s8 =	simm.s32 $0x10  }
0x10: {  	[tilespmem:s8], [sflag:$0x1] =	stream.linear.gather [hbm4b:s7+s5], $0x1F, $0x38;
	[tilespmem:$0x8550] =	vst v63  }
0x11: {  	_ =	swait.ge [sflag:s9], $0x1  }
0x12: {  	[sflag:s9] =	ssyncset.done $0x0  }
0x13: {  	[sflag:s9] =	ssyncadd.s32 $0xFFFFFFFF  }
0x14: {  	_ =	swait.ge [sflag:s9], $0x8  }
0x15: {  	[sflag:s9] =	ssyncset.done $0x0  }
0x16: {  	[sflag:s9] =	ssyncadd.s32 $0xFFFFFFF8  }
0x17: {  	_ =	swait.ge [sflag:s9], $0x1F  }
0x18: {  	[sflag:s9] =	ssyncset.done $0x0  }
0x19: {  	[sflag:s9] =	ssyncadd.s32 $0xFFFFFFE1  }
0x1a: {  	v0 =	vld [tilespmem:$0x0];
	_ =	sdelay $0x3  }
0x1b: {  	vm0 =	vmmov $0x1  }
0x1c: {  	v1 =	vnsel vm0, $0x0, v0  }
0x1d: {  	(xrf2) =	vadd.scan.msk.f32 $0xffff, v1;
	_ =	sdelay $0x9  }
0x1e: {  	v1, _, _ =	vpop (xrf2)  }
0x1f: {  	(v2sf) =	vpush v1, $0xF;
	_ =	sdelay $0xd  }
0x20: {  	v3 =	vld [tilespmem:$0x10]  }
0x21: {  	v4 =	vld [tilespmem:$0x20];
	s10 =	spop (v2sf)  }
0x22: {  	s6 =	smul.f32 $3.000000000e+00, s10;
	_ =	sdelay $0x1  }
0x23: {  	s6 =	sadd.f32 $2.000000000e+00, s6  }
0x24: {  	vm2 =	vmmov $0x7fff  }
0x25: {  	v1 =	vimm.s32 $0x0;
	vm9 =	vle.f32 v3, s6;
	vm1 =	vle.f32 v4, s6  }
0x26: {  	v2 =	vsel vm9, $0x1, v1;
	vm10 =	vmand vm1, vm2  }
0x27: {  	(xrf0) =	vadd.scan.msk.s32 $0xffff, v2;
	v1 =	vsel vm10, $0x1, v1  }
0x28: {  	(xrf0) =	vadd.scan.msk.s32 $0xffff, v1;
	_ =	sdelay $0x4  }
0x29: {  	v1, _, _ =	vpop (xrf0)  }
0x2a: {  	(v2sf) =	vpush v1, $0xF;
	v1, _, _ =	vpop (xrf0)  }
0x2b: {  	(v2sf) =	vpush v1, $0xF;
	_ =	sdelay $0xd  }
0x2c: {  	s11 =	spop (v2sf)  }
0x2d: {  	s12 =	spop (v2sf)  }
0x2e: {  	s7 =	sadd.s32 s11, s12  }
0x2f: {  	p0 =	sgt.s32 s7, $0x1  }
0x30: {  	s7 =	simm.s32 @!p0 $0x1  }
0x31: {  	s7 =	smin.u32 s7, $0x1E  }
0x32: {  	s13 =	sadd.s32 $0xFFFFFFFF, s7  }
0x33: {  	v5 =	vlaneseq.u32;
	v1 =	vmov s13  }
0x34: {  	v6 =	vor.u32 $0x10, v5;
	vm11 =	veq.s32 v1, v5  }
0x35: {  	v2 =	vmov s7;
	vm12 =	veq.s32 v1, v6;
	v7 =	vnsel vm11, $0x0, v3  }
0x36: {  	vm13 =	veq.s32 v2, v5;
	(xrf2) =	vadd.scan.msk.f32 $0xffff, v7;
	v7 =	vnsel vm12, $0x0, v4  }
0x37: {  	vm14 =	veq.s32 v2, v6;
	v3 =	vnsel vm13, $0x0, v3;
	(xrf2) =	vadd.scan.msk.f32 $0xffff, v7  }
0x38: {  	(xrf2) =	vadd.scan.msk.f32 $0xffff, v3;
	v3 =	vnsel vm14, $0x0, v4  }
0x39: {  	(xrf2) =	vadd.scan.msk.f32 $0xffff, v3;
	_ =	sdelay $0x6  }
0x3a: {  	v3, _, _ =	vpop (xrf2)  }
0x3b: {  	v4, _, _ =	vpop (xrf2);
	(v2sf) =	vpush v3, $0xF  }
0x3c: {  	v3, _, _ =	vpop (xrf2);
	(v2sf) =	vpush v4, $0xF  }
0x3d: {  	(v2sf) =	vpush v3, $0xF;
	v3, _, _ =	vpop (xrf2)  }
0x3e: {  	(v2sf) =	vpush v3, $0xF;
	_ =	sdelay $0xb  }
0x3f: {  	s14 =	spop (v2sf)  }
0x40: {  	s15 =	spop (v2sf)  }
0x41: {  	s16 =	spop (v2sf)  }
0x42: {  	s7 =	sadd.f32 s15, s14;
	s17 =	spop (v2sf)  }
0x43: {  	s8 =	sadd.f32 s17, s16;
	_ =	sdelay $0x1  }
0x44: {  	s8 =	ssub.f32 s8, s7;
	_ =	sdelay $0x1  }
0x45: {  	v3 =	vmov s8  }
0x46: {  	vm15 =	veq.f32 v3, $0.0e+00  }
0x47: {  	v3 =	vsel vm15, $0x3F800000, v3  }
0x48: {  	(erf) = vrcp.f32 v3;
	_ =	sdelay $0x6  }
0x49: {  	v5 =	vmul.u32 $0x20, v5;
	v3 =	vmov s5  }
0x4a: {  	s19 =	simm.s32 $0x10;
	s18 =	ssub.f32 s6, s7;
	v3 =	vshll.u32 v3, $0x5  }
0x4b: {  	v6 =	vmov s19;
	v3 =	vor.u32 v5, v3;
	v4 =	vpop (erf)  }
0x4c: {  	s20 =	simm.s32 $0x20;
	v6 =	vshll.u32 v6, $0x5;
	v7 =	vadd.s32 v1, v3;
	v4 =	vmul.f32 s18, v4  }
0x4d: {  	s21 =	simm.s32 $0x2;
	v8 =	vmov s20;
	v6 =	vor.u32 v5, v6;
	v9 =	vor.u32 v3, v2  }
0x4e: {  	s22 =	simm.s32 $0x30;
	_ =	swait.ge [sflag:s21], $0x8000;
	v3 =	vmax.f32 v4, $0.0e+00;
	v4 =	vshll.u32 v8, $0x5;
	v8 =	vadd.s32 v1, v6  }
0x4f: {  	v10 =	vmov s22;
	[sflag:s21] =	ssyncset.done $0x0;
	v6 =	vor.u32 v6, v2;
	v4 =	vor.u32 v5, v4  }
0x50: {  	v13 =	vimm.f32 $0.0e+00;
	s23 =	simm.s32 $0x40;
	v10 =	vshll.u32 v10, $0x5;
	[sflag:s21] =	ssyncadd.s32 $0xFFFF8000;
	v11 =	vadd.s32 v1, v4  }
0x51: {  	s24 =	simm.s32 $0x70;
	s25 =	simm.s32 $0x60;
	v15 =	vmov s23;
	v10 =	vor.u32 v5, v10;
	v7 =	vld.idx.msk [tilespmem:v7+s4+$0x0], $0xffff;
	v12 =	vor.u32 v4, v2  }
0x52: {  	s26 =	simm.s32 $0x50;
	v16 =	vmov s24;
	v17 =	vmov s25;
	v14 =	vadd.s32 v1, v10;
	v9 =	vld.idx.msk [tilespmem:v9+s4+$0x0], $0xffff  }
0x53: {  	v18 =	vmov s26;
	v10 =	vor.u32 v10, v2;
	v3 =	vmin.f32 v3, $1.000000000e+00;
	v8 =	vld.idx.msk [tilespmem:v8+s4+$0x0], $0xffff  }
0x54: {  	v15 =	vshll.u32 v15, $0x5;
	v16 =	vshll.u32 v16, $0x5;
	v3 =	vsel vm15, $0x3F800000, v3;
	v6 =	vld.idx.msk [tilespmem:v6+s4+$0x0], $0xffff  }
0x55: {  	v18 =	vshll.u32 v18, $0x5;
	v17 =	vshll.u32 v17, $0x5;
	v4 =	vsub.f32 $1.000000000e+00, v3;
	v11 =	vld.idx.msk [tilespmem:v11+s4+$0x0], $0xffff  }
0x56: {  	v15 =	vor.u32 v5, v15;
	v18 =	vor.u32 v5, v18;
	v17 =	vor.u32 v5, v17;
	v12 =	vld.idx.msk [tilespmem:v12+s4+$0x0], $0xffff  }
0x57: {  	v19 =	vadd.s32 v1, v15;
	v14 =	vld.idx.msk [tilespmem:v14+s4+$0x0], $0xffff;
	v7 =	vmul.f32 v7, v4;
	v9 =	vmul.f32 v9, v3  }
0x58: {  	v15 =	vor.u32 v15, v2;
	v20 =	vadd.s32 v1, v18;
	v18 =	vor.u32 v18, v2;
	v10 =	vld.idx.msk [tilespmem:v10+s4+$0x0], $0xffff  }
0x59: {  	v21 =	vadd.f32 v9, v7;
	v7 =	vmul.f32 v8, v4;
	v6 =	vmul.f32 v6, v3  }
0x5a: {  	v16 =	vor.u32 v5, v16;
	v22 =	vadd.s32 v1, v17;
	v8 =	vmul.f32 v11, v4  }
0x5b: {  	v11 =	vadd.f32 v21, v13;
	v13 =	vadd.f32 v6, v7;
	v12 =	vmul.f32 v12, v3  }
0x5c: {  	v14 =	vmul.f32 v14, v4;
	v6 =	vld.idx.msk [tilespmem:v19+s4+$0x0], $0xffff;
	v19 =	vor.u32 v17, v2;
	v7 =	vadd.s32 v1, v16  }
0x5d: {  	s28 =	simm.s32 $0x80;
	s29 =	simm.s32 $0xB0;
	s5 =	simm.s32 $0x8050;
	v9 =	vld.idx.msk [tilespmem:v15+s4+$0x0], $0xffff;
	v17 =	vmul.f32 v10, v3;
	v15 =	vadd.f32 v13, v11;
	v12 =	vadd.f32 v12, v8  }
0x5e: {  	s30 =	simm.s32 $0xA0;
	v63 =	vmov s28;
	v23 =	vmov s29;
	[tilespmem:s5+$0xFFFFFFE0] =	vst v21;
	v10 =	vld.idx.msk [tilespmem:v18+s4+$0x0], $0xffff;
	v11 =	vor.u32 v16, v2  }
0x5f: {  	s31 =	simm.s32 $0x90;
	v8 =	vld.idx.msk [tilespmem:v20+s4+$0x0], $0xffff;
	[tilespmem:s5+$0xFFFFFFF0] =	vst v13;
	v13 =	vmov s30;
	v14 =	vadd.f32 v17, v14;
	v20 =	vadd.f32 v12, v15  }
0x60: {  	v17 =	vshll.u32 v63, $0x5;
	v16 =	vshll.u32 v23, $0x5;
	[tilespmem:s5+$0x0] =	vst v12;
	v15 =	vmov s31;
	v12 =	vld.idx.msk [tilespmem:v22+s4+$0x0], $0xffff  }
0x61: {  	s6 =	simm.s32 $0xC0;
	[tilespmem:s5+$0x10] =	vst v14;
	v18 =	vshll.u32 v15, $0x5;
	v15 =	vshll.u32 v13, $0x5;
	v13 =	vld.idx.msk [tilespmem:v19+s4+$0x0], $0xffff;
	v14 =	vadd.f32 v14, v20  }
.LBB2_1:
0x62: {  	p0 =	slt.u32 s6, $0x3C0;
	v17 =	vor.u32 v5, v17;
	v18 =	vor.u32 v5, v18;
	v16 =	vor.u32 v5, v16;
	v19 =	vld.idx.msk [tilespmem:v7+s4+$0x0], $0xffff  }
0x63: {  	v6 =	vmul.f32 v6, v4;
	v9 =	vmul.f32 v9, v3;
	v7 =	vadd.s32 v1, v17;
	v11 =	vld.idx.msk [tilespmem:v11+s4+$0x0], $0xffff  }
0x64: {  	v15 =	vor.u32 v5, v15;
	v17 =	vor.u32 v17, v2;
	v20 =	vadd.s32 v1, v18  }
0x65: {  	v8 =	vmul.f32 v8, v4;
	v6 =	vadd.f32 v9, v6;
	v9 =	vmul.f32 v10, v3  }
0x66: {  	s5 =	sadd.s32 $0x40, s5;
	v10 =	vor.u32 v18, v2;
	v18 =	vadd.s32 v1, v15;
	v12 =	vmul.f32 v12, v4  }
0x67: {  	v14 =	vadd.f32 v6, v14;
	v21 =	vadd.f32 v9, v8;
	v8 =	vmul.f32 v13, v3;
	[tilespmem:s5+$0xFFFFFFE0] =	vst v6  }
0x68: {  	v13 =	vor.u32 v15, v2;
	v15 =	vmul.f32 v19, v4;
	v6 =	vld.idx.msk [tilespmem:v7+s4+$0x0], $0xffff;
	v7 =	vadd.s32 v1, v16  }
.Ltmp0:
0x69: {  	s7 =	sadd.s32 $0x30, s6;
	v14 =	vadd.f32 v21, v14;
	v12 =	vadd.f32 v8, v12;
	v9 =	vld.idx.msk [tilespmem:v17+s4+$0x0], $0xffff;
	v17 =	vmul.f32 v11, v3;
	(pc) =	sbr.rel @p0 .LBB2_1-.Ltmp0, $4  }
0x6a: {  	s8 =	sadd.s32 $0x20, s6;
	v22 =	vmov s7;
	v19 =	vmov s6;
	v11 =	vor.u32 v16, v2;
	v8 =	vld.idx.msk [tilespmem:v20+s4+$0x0], $0xffff;
	[tilespmem:s5+$0xFFFFFFF0] =	vst v21  }
0x6b: {  	s7 =	sadd.s32 $0x10, s6;
	v20 =	vmov s8;
	v14 =	vadd.f32 v12, v14;
	v10 =	vld.idx.msk [tilespmem:v10+s4+$0x0], $0xffff;
	[tilespmem:s5+$0x0] =	vst v12;
	v21 =	vadd.f32 v17, v15  }
0x6c: {  	v16 =	vshll.u32 v22, $0x5;
	v17 =	vshll.u32 v19, $0x5;
	v15 =	vmov s7;
	v12 =	vld.idx.msk [tilespmem:v18+s4+$0x0], $0xffff  }
0x6d: {  	s6 =	sadd.s32 $0x40, s6;
	v18 =	vshll.u32 v15, $0x5;
	v15 =	vshll.u32 v20, $0x5;
	v13 =	vld.idx.msk [tilespmem:v13+s4+$0x0], $0xffff;
	[tilespmem:s5+$0x10] =	vst v21;
	v14 =	vadd.f32 v21, v14  }
0x6e: {  	vm0 =	vcmask $0x2328  }
0x6f: {  	vm15 =	vcmask $0x1F24;
	v19 =	vsel vm0, $0x0, v0  }
0x70: {  	v17 =	vor.u32 v5, v17;
	v0 =	vsel vm15, $0x0, v0;
	(xrf2) =	vadd.scan.msk.f32 $0xffff, v19  }
0x71: {  	(xrf2) =	vadd.scan.msk.f32 $0xffff, v0;
	v0 =	vadd.s32 v1, v17  }
0x72: {  	v6 =	vmul.f32 v6, v4;
	v18 =	vor.u32 v5, v18;
	v7 =	vld.idx.msk [tilespmem:v7+s4+$0x0], $0xffff;
	v17 =	vor.u32 v17, v2  }
0x73: {  	v9 =	vmul.f32 v9, v3;
	v16 =	vor.u32 v5, v16;
	v53 =	vld.idx.msk [tilespmem:v11+s4+$0x0], $0xffff;
	v52 =	vadd.s32 v1, v18  }
0x74: {  	v5 =	vor.u32 v5, v15;
	v8 =	vmul.f32 v8, v4;
	v54 =	vor.u32 v18, v2  }
0x75: {  	v15 =	vadd.s32 v1, v5;
	v6 =	vadd.f32 v9, v6;
	v10 =	vmul.f32 v10, v3  }
0x76: {  	v5 =	vor.u32 v5, v2;
	v12 =	vmul.f32 v12, v4;
	v1 =	vadd.s32 v1, v16;
	v0 =	vld.idx.msk [tilespmem:v0+s4+$0x0], $0xffff  }
0x77: {  	v14 =	vadd.f32 v6, v14;
	v8 =	vadd.f32 v10, v8;
	v55 =	vmul.f32 v13, v3;
	v56 =	vld.idx.msk [tilespmem:v17+s4+$0x0], $0xffff  }
0x78: {  	v2 =	vor.u32 v16, v2;
	v7 =	vmul.f32 v7, v4;
	v9 =	vmul.f32 v53, v3;
	v58 =	vld.idx.msk [tilespmem:v52+s4+$0x0], $0xffff  }
0x79: {  	v14 =	vadd.f32 v8, v14;
	v10 =	vadd.f32 v55, v12;
	v11 =	vld.idx.msk [tilespmem:v54+s4+$0x0], $0xffff  }
0x7a: {  	v15 =	vld.idx.msk [tilespmem:v15+s4+$0x0], $0xffff;
	v7 =	vadd.f32 v9, v7;
	v57, _, _ =	vpop (xrf2)  }
0x7b: {  	v5 =	vld.idx.msk [tilespmem:v5+s4+$0x0], $0xffff;
	v14 =	vadd.f32 v10, v14;
	(v2sf) =	vpush v57, $0xF;
	v59, _, _ =	vpop (xrf2)  }
0x7c: {  	v1 =	vld.idx.msk [tilespmem:v1+s4+$0x0], $0xffff;
	v0 =	vmul.f32 v0, v4;
	v60 =	vmul.f32 v56, v3;
	(v2sf) =	vpush v59, $0xF  }
0x7d: {  	v2 =	vld.idx.msk [tilespmem:v2+s4+$0x0], $0xffff;
	v61 =	vadd.f32 v7, v14  }
0x7e: {  	v62 =	vmul.f32 v58, v4;
	v11 =	vmul.f32 v11, v3;
	v0 =	vadd.f32 v60, v0  }
0x7f: {  	s25 =	sadd.s32 $0x40, s5;
	v63 =	vmul.f32 v15, v4  }
0x80: {  	[tilespmem:s25+$0xFFFFFFE0] =	vst v6;
	v5 =	vmul.f32 v5, v3;
	v9 =	vadd.f32 v11, v62;
	v6 =	vadd.f32 v0, v61  }
0x81: {  	[tilespmem:s25+$0xFFFFFFF0] =	vst v8;
	v1 =	vmul.f32 v1, v4  }
0x82: {  	[tilespmem:s25+$0x0] =	vst v10;
	v5 =	vadd.f32 v5, v63;
	v2 =	vmul.f32 v2, v3;
	v4 =	vadd.f32 v9, v6  }
0x83: {  	s4 =	sadd.s32 $0x40, s25;
	[tilespmem:s25+$0x10] =	vst v7  }
0x84: {  	v1 =	vadd.f32 v2, v1;
	[tilespmem:s4+$0xFFFFFFE0] =	vst v0;
	v0 =	vadd.f32 v5, v4  }
0x85: {  	[tilespmem:s4+$0xFFFFFFF0] =	vst v9  }
0x86: {  	[tilespmem:s4+$0x0] =	vst v5;
	v0 =	vadd.f32 v1, v0  }
0x87: {  	s26 =	sshll.u32 s1, $0x4;
	[tilespmem:s4+$0x10] =	vst v1  }
0x88: {  	s6 =	simm.s32 $0x8430;
	s4 =	sadd.s32 s26, s3;
	[tilespmem:$0x8430] =	vst v0  }
0x89: {  	[spmem:s4] =	stream.linear.scatter [tilespmem:s6], [sflag:$0x3], $0x10, $0x38;
	[tilespmem:$0x8550] =	vst v63  }
0x8a: {  	s28 =	spop (v2sf)  }
0x8b: {  	s30 =	simm.s32 $0x3;
	s29 =	spop (v2sf)  }
0x8c: {  	_ =	swait.ge [sflag:s30], $0x10  }
0x8d: {  	[sflag:s30] =	ssyncset.done $0x0  }
0x8e: {  	[sflag:s30] =	ssyncadd.s32 $0xFFFFFFF0  }
0x8f: {  	s7 =	simm.s32 $0x8440;
	[bflag:$0x0] =	sbarrier.arrive $0xFFFF  }
0x90: {  	[tilespmem:s7], [sflag:$0x3] =	stream.linear.gather [spmem:s3], $0x100, $0x38;
	[tilespmem:$0x8550] =	vst v63  }
0x91: {  	_ =	swait.ge [sflag:s30], $0x100  }
0x92: {  	[sflag:s30] =	ssyncset.done $0x0  }
0x93: {  	[sflag:s30] =	ssyncadd.s32 $0xFFFFFF00  }
0x94: {  	v0 =	vld [tilespmem:$0x8440];
	_ =	sdelay $0x1  }
0x95: {  	v1 =	vld [tilespmem:$0x8450];
	_ =	sdelay $0x1  }
0x96: {  	v2 =	vld [tilespmem:$0x8460]  }
0x97: {  	v0 =	vadd.f32 $0.0e+00, v0  }
0x98: {  	v3 =	vld [tilespmem:$0x8470]  }
0x99: {  	v0 =	vadd.f32 v1, v0  }
0x9a: {  	v1 =	vld [tilespmem:$0x8480]  }
0x9b: {  	v0 =	vadd.f32 v2, v0  }
0x9c: {  	v2 =	vld [tilespmem:$0x8490]  }
0x9d: {  	v0 =	vadd.f32 v3, v0  }
0x9e: {  	v3 =	vld [tilespmem:$0x84A0]  }
0x9f: {  	v0 =	vadd.f32 v1, v0  }
0xa0: {  	v1 =	vld [tilespmem:$0x84B0]  }
0xa1: {  	v0 =	vadd.f32 v2, v0  }
0xa2: {  	v2 =	vld [tilespmem:$0x84C0]  }
0xa3: {  	v0 =	vadd.f32 v3, v0  }
0xa4: {  	v3 =	vld [tilespmem:$0x84D0]  }
0xa5: {  	v0 =	vadd.f32 v1, v0  }
0xa6: {  	v1 =	vld [tilespmem:$0x84E0]  }
0xa7: {  	v0 =	vadd.f32 v2, v0  }
0xa8: {  	v2 =	vld [tilespmem:$0x84F0]  }
0xa9: {  	v0 =	vadd.f32 v3, v0  }
0xaa: {  	v3 =	vld [tilespmem:$0x8500]  }
0xab: {  	v0 =	vadd.f32 v1, v0  }
0xac: {  	v1 =	vld [tilespmem:$0x8510]  }
0xad: {  	v0 =	vadd.f32 v2, v0  }
0xae: {  	v2 =	vld [tilespmem:$0x8520]  }
0xaf: {  	v0 =	vadd.f32 v3, v0  }
0xb0: {  	v3 =	vld [tilespmem:$0x8530]  }
0xb1: {  	v0 =	vadd.f32 v1, v0;
	_ =	sdelay $0x1  }
0xb2: {  	v0 =	vadd.f32 v2, v0;
	_ =	sdelay $0x1  }
0xb3: {  	v0 =	vadd.f32 v3, v0;
	_ =	sdelay $0x1  }
0xb4: {  	(xrf2) =	vadd.scan.msk.f32 $0xffff, v0;
	_ =	sdelay $0x9  }
0xb5: {  	v0, _, _ =	vpop (xrf2)  }
0xb6: {  	s31 =	ssub.f32 s28, s29;
	v0 =	vbroadcast v0, $0xF;
	_ =	sdelay $0x1  }
0xb7: {  	v0 =	vmul.f32 s31, v0;
	_ =	sdelay $0x1  }
0xb8: {  	(erf) = vrcp.f32 v0;
	_ =	sdelay $0x3  }
0xb9: {  	s4 =	simm.s32 $0x8050  }
0xba: {  	v1 =	vld [tilespmem:s4+$0xFFFFFFE0]  }
0xbb: {  	v3 =	vld [tilespmem:s4+$0x10]  }
0xbc: {  	v4 =	vld [tilespmem:s4+$0x0];
	_ =	sdelay $0x1  }
0xbd: {  	v5 =	vld [tilespmem:s4+$0xFFFFFFF0];
	v0 =	vpop (erf)  }
0xbe: {  	s3 =	simm.s32 $0x8090;
	v6 =	vmul.f32 v1, v0  }
0xbf: {  	v2 =	vld [tilespmem:s3+$0xFFFFFFE0];
	v7 =	vmul.f32 v3, v0  }
0xc0: {  	v1 =	vld [tilespmem:s3+$0x10];
	[tilespmem:s4+$0xFFFFFFE0] =	vst v6;
	v6 =	vmul.f32 v4, v0  }
0xc1: {  	v3 =	vld [tilespmem:s3+$0x0];
	[tilespmem:s4+$0x10] =	vst v7  }
0xc2: {  	s5 =	simm.s32 $0x40;
	v5 =	vmul.f32 v5, v0;
	v4 =	vld [tilespmem:s3+$0xFFFFFFF0];
	[tilespmem:s4+$0x0] =	vst v6  }
.LBB2_3:
0xc3: {  	s5 =	sadd.s32 $0x40, s5  }
0xc4: {  	[tilespmem:s4+$0xFFFFFFF0] =	vst v5;
	s4 =	smov.u32 s3;
	p0 =	slt.u32 s5, $0x3C0  }
.Ltmp1:
0xc5: {  	s3 =	sadd.s32 $0x40, s3;
	v5 =	vmul.f32 v2, v0;
	(pc) =	sbr.rel @p0 .LBB2_3-.Ltmp1, $4  }
0xc6: {  	v2 =	vld [tilespmem:s3+$0xFFFFFFE0];
	v6 =	vmul.f32 v1, v0  }
0xc7: {  	v1 =	vld [tilespmem:s3+$0x10];
	[tilespmem:s4+$0xFFFFFFE0] =	vst v5;
	v7 =	vmul.f32 v3, v0  }
0xc8: {  	v3 =	vld [tilespmem:s3+$0x0];
	v5 =	vmul.f32 v4, v0;
	[tilespmem:s4+$0x10] =	vst v6  }
0xc9: {  	v4 =	vld [tilespmem:s3+$0xFFFFFFF0];
	[tilespmem:s4+$0x0] =	vst v7  }
0xca: {  	_ = 	snop  }
0xcb: {  	v2 =	vmul.f32 v2, v0  }
0xcc: {  	[tilespmem:s4+$0xFFFFFFF0] =	vst v5;
	v1 =	vmul.f32 v1, v0  }
0xcd: {  	[tilespmem:s3+$0xFFFFFFE0] =	vst v2;
	v62 =	vmul.f32 v3, v0  }
0xce: {  	v63 =	vmul.f32 v4, v0;
	[tilespmem:s3+$0x10] =	vst v1  }
0xcf: {  	s28 =	sshll.u32 s1, $0x7;
	s29 =	simm.s32 $0x0;
	[tilespmem:s3+$0x0] =	vst v62  }
0xd0: {  	s30 =	simm.s32 $0x8030;
	s31 =	simm.s32 $0x3;
	s2 =	sadd.s32 s2, s28;
	[tilespmem:s3+$0xFFFFFFF0] =	vst v63  }
0xd1: {  	[hbm4b:s2+s29] =	stream.linear.scatter [tilespmem:s30], [sflag:$0x3], $0x400, $0x38;
	[tilespmem:$0x8550] =	vst v63  }
0xd2: {  	_ =	swait.ge [sflag:s31], $0x400  }
0xd3: {  	[sflag:s31] =	ssyncset.done $0x0  }
0xd4: {  	[sflag:s31] =	ssyncadd.s32 $0xFFFFFC00  }
0xd5: {  	_ =	sfence.sel $0x180000  }
0xd6: {  	[bflag:$0x0] =	sbarrier.arrive $0xFFFF  }
0xd7: {  	p0 =	sne.s32 s1, $0x0;
	_ =	strace $0x90000047  }
0xd8: {  	s0 =	sadd.s32 @!p0 $0x100000, s0;
	[bflag:$0x2] =	sbarrier.arrive $0xFFFF  }
0xd9: {  	[sflag:s0] =	ssyncadd.tile.s32 @!p0 $0x1;
	_ =	shalt  }
.Lfunc_end2:
_tile_overlayer_lowered:
.L_overlay_start_2:
0xda: {  	(tag) =	ssettag $0x2  }
0xdb: {  	s0 =	rddreg [dreg:$0x0];
	s2 =	stileid.u32  }
0xdc: {  	s1 =	rddreg [dreg:$0x1];
	p0 =	sne.s32 s2, $0x0  }
0xdd: {  	s3 =	rddreg [dreg:$0x2];
	[bflag:$0x3] =	sbarrier.arrive $0xFFFF;
	s2 =	simm.s32 @!p0 $0x1C03  }
0xde: {  	[timem:s3], [sflag:s2] =	dma.local @!p0 [hbm:s0], s1  }
0xdf: {  	s0 =	simm.s32 @!p0 $0x3  }
0xe0: {  	_ =	swait.ge @!p0 [sflag:s0], s1  }
0xe1: {  	s1 =	ssub.s32 @!p0 $0x0, s1;
	[sflag:s0] =	ssyncset.done @!p0 $0x0  }
0xe2: {  	[sflag:s0] =	ssyncadd.s32 @!p0 s1  }
0xe3: {  	[bflag:$0x3] =	sbarrier.arrive $0xFFFF  }
0xe4: {  	_ =	shalt  }

</sc_bundles>
